<compile_context>
chip_gen: v7x
topology: tpu7x:2x2x1
jax: 0.10.2.dev20260603
libtpu: 0.0.44.dev20260713+nightly
codegen_flags: <defaults>
</compile_context>

<pallas_src>
import jax
import jax.numpy as jnp
from jax import lax
from jax.experimental import pallas as pl
from jax.experimental.pallas import tpu as pltpu
from jax.experimental.pallas import tpu_sc as plsc

_VOCAB = 32000
_D = 2048
_BATCH = 4
_SEQ = 4096
_N = _BATCH * _SEQ
_NW = 32
_PER_W = _N // _NW
_K = 8
_NCH = _PER_W // _K
_NBUF = 4


def _emb_body(ids_hbm, table_hbm, out_hbm, idx_v, rows0, rows1, rows2, rows3, g0, g1, g2, g3, s0, s1, s2, s3):
    cid = lax.axis_index("c")
    sid = lax.axis_index("s")
    wid = sid * 2 + cid
    base = wid * _PER_W

    rows = (rows0, rows1, rows2, rows3)
    gsem = (g0, g1, g2, g3)
    ssem = (s0, s1, s2, s3)

    pltpu.sync_copy(ids_hbm.at[wid], idx_v)

    for b in range(_NBUF):
        pltpu.make_async_copy(
            table_hbm.at[idx_v.at[b]], rows[b], gsem[b]
        ).start()

    def body(t, carry):
        j = t * _NBUF
        for b in range(_NBUF):
            ch = j + b
            pltpu.make_async_copy(
                table_hbm.at[idx_v.at[ch]], rows[b], gsem[b]
            ).wait()
            out_slice = out_hbm.at[pl.ds(base + ch * _K, _K)]
            pltpu.make_async_copy(rows[b], out_slice, ssem[b]).start()
            nxt = ch + _NBUF

            @pl.when(nxt < _NCH)
            def _():
                pltpu.make_async_copy(rows[b], out_slice, ssem[b]).wait()
                pltpu.make_async_copy(
                    table_hbm.at[idx_v.at[nxt]], rows[b], gsem[b]
                ).start()

        return carry

    lax.fori_loop(0, _NCH // _NBUF, body, 0)

    for b in range(_NBUF):
        ch = _NCH - _NBUF + b
        out_slice = out_hbm.at[pl.ds(base + ch * _K, _K)]
        pltpu.make_async_copy(rows[b], out_slice, ssem[b]).wait()


@jax.jit
def _emb_lookup(ids3, table):
    mesh = plsc.VectorSubcoreMesh(core_axis_name="c", subcore_axis_name="s")
    f = pl.kernel(
        _emb_body,
        out_type=jax.ShapeDtypeStruct((_N, _D), jnp.float32),
        mesh=mesh,
        scratch_types=[
            pltpu.VMEM((_NCH, _K), jnp.int32),
            pltpu.VMEM((_K, _D), jnp.float32),
            pltpu.VMEM((_K, _D), jnp.float32),
            pltpu.VMEM((_K, _D), jnp.float32),
            pltpu.VMEM((_K, _D), jnp.float32),
            pltpu.SemaphoreType.DMA,
            pltpu.SemaphoreType.DMA,
            pltpu.SemaphoreType.DMA,
            pltpu.SemaphoreType.DMA,
            pltpu.SemaphoreType.DMA,
            pltpu.SemaphoreType.DMA,
            pltpu.SemaphoreType.DMA,
            pltpu.SemaphoreType.DMA,
        ],
    )
    return f(ids3, table)


def kernel(input_ids, table):
    ids3 = jnp.reshape(input_ids.astype(jnp.int32), (_NW, _NCH, _K))
    out = _emb_lookup(ids3, table)
    return out.reshape(_BATCH, _SEQ, _D)

# --- scband reference (transcript-rebuilt; emitter-appended) ---
"""Pipeline reference for scband-lla-ma-embeddings-35742717837834 (READ-ONLY COPY).

The authoritative reference and input builder live on the scoring server;
editing this copy changes nothing except your own understanding.
"""

import jax, jax.numpy as jnp
import numpy as np

VOCAB_SIZE = 32000
HIDDEN_SIZE = 2048
BATCH = 4
SEQ_LEN = 4096


def setup_inputs(seed: int = 0) -> dict:
    key = jax.random.key(seed)
    k1, k2 = jax.random.split(key)
    input_ids = jax.random.randint(k1, (BATCH, SEQ_LEN), 0, VOCAB_SIZE, dtype=jnp.int64 if jax.config.jax_enable_x64 else jnp.int32)
    table = jax.random.normal(k2, (VOCAB_SIZE, HIDDEN_SIZE), dtype=jnp.float32) * 0.02
    return {"input_ids": input_ids, "table": table}


def reference(input_ids, table):
    # nn.Embedding forward: gather rows of the embedding table
    return jnp.take(table, input_ids, axis=0)

if __name__ == "__main__":
    import jax
    _d = setup_inputs()
    print(jax.jit(kernel)(*tuple(_d.values())))

</pallas_src>

<mosaic_0001>
#map = affine_map<(d0, d1) -> (0, 0, 0)>
#map1 = affine_map<(d0, d1) -> (0, 0)>
module attributes {stable_mosaic.version = 14 : i64} {
  func.func @_emb_body(%arg0: i32, %arg1: i32, %arg2: memref<32x64x8xi32, #tpu.memory_space<hbm>>, %arg3: memref<32000x2048xf32, #tpu.memory_space<hbm>>, %arg4: memref<16384x2048xf32, #tpu.memory_space<hbm>>, %arg5: memref<64x8xi32, #tpu.memory_space<vmem>>, %arg6: memref<8x2048xf32, #tpu.memory_space<vmem>>, %arg7: memref<8x2048xf32, #tpu.memory_space<vmem>>, %arg8: memref<8x2048xf32, #tpu.memory_space<vmem>>, %arg9: memref<8x2048xf32, #tpu.memory_space<vmem>>, %arg10: memref<!tpu.dma_semaphore, #tpu.memory_space<semaphore_mem>>, %arg11: memref<!tpu.dma_semaphore, #tpu.memory_space<semaphore_mem>>, %arg12: memref<!tpu.dma_semaphore, #tpu.memory_space<semaphore_mem>>, %arg13: memref<!tpu.dma_semaphore, #tpu.memory_space<semaphore_mem>>, %arg14: memref<!tpu.dma_semaphore, #tpu.memory_space<semaphore_mem>>, %arg15: memref<!tpu.dma_semaphore, #tpu.memory_space<semaphore_mem>>, %arg16: memref<!tpu.dma_semaphore, #tpu.memory_space<semaphore_mem>>, %arg17: memref<!tpu.dma_semaphore, #tpu.memory_space<semaphore_mem>>) attributes {dimension_semantics = [#tpu.dimension_semantics<core_parallel>, #tpu.dimension_semantics<subcore_parallel>], iteration_bounds = array<i64: 2, 16>, scalar_prefetch = 0 : i64, scratch_operands = 13 : i64, tpu.core_type = #tpu.core_type<sc_vector_subcore>, window_params = [{transform_indices = #map}, {transform_indices = #map1}, {transform_indices = #map1}]} {
    %mul3A = arith.constant 2 : i32
    %mul3A_0 = arith.muli %arg1, %mul3A : i32
    %add3A = arith.addi %mul3A_0, %arg0 : i32
    %mul3A_1 = arith.constant 512 : i32
    %mul3A_2 = arith.muli %add3A, %mul3A_1 : i32
    "tpu.region"() ({
      %run_scoped3A = tpu.sem_alloc : memref<!tpu.dma_semaphore, #tpu.memory_space<semaphore_mem>>
      %dma_start3A_58 = arith.constant 0 : i32
      %dma_start3A_59 = arith.constant 0 : i32
      %dma_start3A_60 = tpu.memref_slice %arg2[%add3A, %dma_start3A_58, %dma_start3A_59] : memref<32x64x8xi32, #tpu.memory_space<hbm>> -> memref<1x64x8xi32, #tpu.memory_space<hbm>>
      %dma_start3A_61 = tpu.memref_squeeze %dma_start3A_60 : memref<1x64x8xi32, #tpu.memory_space<hbm>> -> memref<64x8xi32, #tpu.memory_space<hbm>>
      %dma_start3A_62 = arith.constant 0 : i32
      %dma_start3A_63 = arith.constant 0 : i32
      %dma_start3A_64 = tpu.memref_slice %arg2[%add3A, %dma_start3A_62, %dma_start3A_63] : memref<32x64x8xi32, #tpu.memory_space<hbm>> -> memref<1x64x8xi32, #tpu.memory_space<hbm>>
      %dma_start3A_65 = tpu.memref_squeeze %dma_start3A_64 : memref<1x64x8xi32, #tpu.memory_space<hbm>> -> memref<64x8xi32, #tpu.memory_space<hbm>>
      tpu.enqueue_dma source(%dma_start3A_65 : memref<64x8xi32, #tpu.memory_space<hbm>>) target(%arg5 : memref<64x8xi32, #tpu.memory_space<vmem>>) target_semaphore(%run_scoped3A : memref<!tpu.dma_semaphore, #tpu.memory_space<semaphore_mem>>)
      %dma_wait3A_66 = arith.constant 0 : i32
      %dma_wait3A_67 = arith.constant 0 : i32
      %dma_wait3A_68 = tpu.memref_slice %arg2[%add3A, %dma_wait3A_66, %dma_wait3A_67] : memref<32x64x8xi32, #tpu.memory_space<hbm>> -> memref<1x64x8xi32, #tpu.memory_space<hbm>>
      %dma_wait3A_69 = tpu.memref_squeeze %dma_wait3A_68 : memref<1x64x8xi32, #tpu.memory_space<hbm>> -> memref<64x8xi32, #tpu.memory_space<hbm>>
      %dma_wait3A_70 = arith.constant 0 : i32
      %dma_wait3A_71 = arith.constant 0 : i32
      %dma_wait3A_72 = tpu.memref_slice %arg2[%add3A, %dma_wait3A_70, %dma_wait3A_71] : memref<32x64x8xi32, #tpu.memory_space<hbm>> -> memref<1x64x8xi32, #tpu.memory_space<hbm>>
      %dma_wait3A_73 = tpu.memref_squeeze %dma_wait3A_72 : memref<1x64x8xi32, #tpu.memory_space<hbm>> -> memref<64x8xi32, #tpu.memory_space<hbm>>
      tpu.wait_dma2 semaphore(%run_scoped3A : memref<!tpu.dma_semaphore, #tpu.memory_space<semaphore_mem>>) src(%dma_wait3A_73 : memref<64x8xi32, #tpu.memory_space<hbm>>) dst(%arg5 : memref<64x8xi32, #tpu.memory_space<vmem>>)
      tpu.yield
    }) : () -> ()
    %dma_start3A = arith.constant 0 : i32
    %dma_start3A_3 = arith.constant 0 : i32
    %dma_start3A_4 = tpu.memref_slice %arg5[%dma_start3A, %dma_start3A_3] : memref<64x8xi32, #tpu.memory_space<vmem>> -> memref<1x8xi32, #tpu.memory_space<vmem>>
    %dma_start3A_5 = tpu.memref_squeeze %dma_start3A_4 : memref<1x8xi32, #tpu.memory_space<vmem>> -> memref<8xi32, #tpu.memory_space<vmem>>
    %dma_start3A_6 = arith.constant 0 : i32
    %dma_start3A_7 = arith.constant 0 : i32
    %dma_start3A_8 = tpu.memref_slice %arg3[%dma_start3A_6, %dma_start3A_7] : memref<32000x2048xf32, #tpu.memory_space<hbm>> -> memref<32000x2048xf32, #tpu.memory_space<hbm>>
    tpu.enqueue_indirect_dma source(%dma_start3A_8 : memref<32000x2048xf32, #tpu.memory_space<hbm>>) target(%arg6 : memref<8x2048xf32, #tpu.memory_space<vmem>>) offsets(%dma_start3A_5 : memref<8xi32, #tpu.memory_space<vmem>>) semaphore(%arg10 : memref<!tpu.dma_semaphore, #tpu.memory_space<semaphore_mem>>)
    %dma_start3A_9 = arith.constant 1 : i32
    %dma_start3A_10 = arith.constant 0 : i32
    %dma_start3A_11 = tpu.memref_slice %arg5[%dma_start3A_9, %dma_start3A_10] : memref<64x8xi32, #tpu.memory_space<vmem>> -> memref<1x8xi32, #tpu.memory_space<vmem>>
    %dma_start3A_12 = tpu.memref_squeeze %dma_start3A_11 : memref<1x8xi32, #tpu.memory_space<vmem>> -> memref<8xi32, #tpu.memory_space<vmem>>
    %dma_start3A_13 = arith.constant 0 : i32
    %dma_start3A_14 = arith.constant 0 : i32
    %dma_start3A_15 = tpu.memref_slice %arg3[%dma_start3A_13, %dma_start3A_14] : memref<32000x2048xf32, #tpu.memory_space<hbm>> -> memref<32000x2048xf32, #tpu.memory_space<hbm>>
    tpu.enqueue_indirect_dma source(%dma_start3A_15 : memref<32000x2048xf32, #tpu.memory_space<hbm>>) target(%arg7 : memref<8x2048xf32, #tpu.memory_space<vmem>>) offsets(%dma_start3A_12 : memref<8xi32, #tpu.memory_space<vmem>>) semaphore(%arg11 : memref<!tpu.dma_semaphore, #tpu.memory_space<semaphore_mem>>)
    %dma_start3A_16 = arith.constant 2 : i32
    %dma_start3A_17 = arith.constant 0 : i32
    %dma_start3A_18 = tpu.memref_slice %arg5[%dma_start3A_16, %dma_start3A_17] : memref<64x8xi32, #tpu.memory_space<vmem>> -> memref<1x8xi32, #tpu.memory_space<vmem>>
    %dma_start3A_19 = tpu.memref_squeeze %dma_start3A_18 : memref<1x8xi32, #tpu.memory_space<vmem>> -> memref<8xi32, #tpu.memory_space<vmem>>
    %dma_start3A_20 = arith.constant 0 : i32
    %dma_start3A_21 = arith.constant 0 : i32
    %dma_start3A_22 = tpu.memref_slice %arg3[%dma_start3A_20, %dma_start3A_21] : memref<32000x2048xf32, #tpu.memory_space<hbm>> -> memref<32000x2048xf32, #tpu.memory_space<hbm>>
    tpu.enqueue_indirect_dma source(%dma_start3A_22 : memref<32000x2048xf32, #tpu.memory_space<hbm>>) target(%arg8 : memref<8x2048xf32, #tpu.memory_space<vmem>>) offsets(%dma_start3A_19 : memref<8xi32, #tpu.memory_space<vmem>>) semaphore(%arg12 : memref<!tpu.dma_semaphore, #tpu.memory_space<semaphore_mem>>)
    %dma_start3A_23 = arith.constant 3 : i32
    %dma_start3A_24 = arith.constant 0 : i32
    %dma_start3A_25 = tpu.memref_slice %arg5[%dma_start3A_23, %dma_start3A_24] : memref<64x8xi32, #tpu.memory_space<vmem>> -> memref<1x8xi32, #tpu.memory_space<vmem>>
    %dma_start3A_26 = tpu.memref_squeeze %dma_start3A_25 : memref<1x8xi32, #tpu.memory_space<vmem>> -> memref<8xi32, #tpu.memory_space<vmem>>
    %dma_start3A_27 = arith.constant 0 : i32
    %dma_start3A_28 = arith.constant 0 : i32
    %dma_start3A_29 = tpu.memref_slice %arg3[%dma_start3A_27, %dma_start3A_28] : memref<32000x2048xf32, #tpu.memory_space<hbm>> -> memref<32000x2048xf32, #tpu.memory_space<hbm>>
    tpu.enqueue_indirect_dma source(%dma_start3A_29 : memref<32000x2048xf32, #tpu.memory_space<hbm>>) target(%arg9 : memref<8x2048xf32, #tpu.memory_space<vmem>>) offsets(%dma_start3A_26 : memref<8xi32, #tpu.memory_space<vmem>>) semaphore(%arg13 : memref<!tpu.dma_semaphore, #tpu.memory_space<semaphore_mem>>)
    %scan3A = arith.constant 0 : i32
    %scan3A_30 = arith.constant 0 : i32
    %scan3A_31 = arith.constant 16 : i32
    %scan3A_32 = arith.addi %scan3A_30, %scan3A_31 : i32
    %scan3A_33 = arith.constant 1 : i32
    scf.for %scan3A_58 = %scan3A_30 to %scan3A_32 step %scan3A_33  : i32 {
      %mul3A_59 = arith.constant 4 : i32
      %mul3A_60 = arith.muli %scan3A_58, %mul3A_59 : i32
      %add3A_61 = arith.constant 0 : i32
      %add3A_62 = arith.addi %mul3A_60, %add3A_61 : i32
      %dma_wait3A_63 = arith.constant 0 : i32
      %dma_wait3A_64 = tpu.memref_slice %arg5[%add3A_62, %dma_wait3A_63] : memref<64x8xi32, #tpu.memory_space<vmem>> -> memref<1x8xi32, #tpu.memory_space<vmem>>
      %dma_wait3A_65 = tpu.memref_squeeze %dma_wait3A_64 : memref<1x8xi32, #tpu.memory_space<vmem>> -> memref<8xi32, #tpu.memory_space<vmem>>
      %dma_wait3A_66 = arith.constant 0 : i32
      %dma_wait3A_67 = arith.constant 0 : i32
      %dma_wait3A_68 = tpu.memref_slice %arg3[%dma_wait3A_66, %dma_wait3A_67] : memref<32000x2048xf32, #tpu.memory_space<hbm>> -> memref<32000x2048xf32, #tpu.memory_space<hbm>>
      tpu.wait_indirect_dma semaphore(%arg10 : memref<!tpu.dma_semaphore, #tpu.memory_space<semaphore_mem>>) src(%dma_wait3A_68 : memref<32000x2048xf32, #tpu.memory_space<hbm>>) dst(%arg6 : memref<8x2048xf32, #tpu.memory_space<vmem>>)
      %mul3A_69 = arith.constant 8 : i32
      %mul3A_70 = arith.muli %add3A_62, %mul3A_69 : i32
      %add3A_71 = arith.addi %mul3A_2, %mul3A_70 : i32
      %dma_start3A_72 = arith.constant 0 : i32
      %dma_start3A_73 = tpu.memref_slice %arg4[%add3A_71, %dma_start3A_72] : memref<16384x2048xf32, #tpu.memory_space<hbm>> -> memref<8x2048xf32, #tpu.memory_space<hbm>>
      %dma_start3A_74 = arith.constant 0 : i32
      %dma_start3A_75 = tpu.memref_slice %arg4[%add3A_71, %dma_start3A_74] : memref<16384x2048xf32, #tpu.memory_space<hbm>> -> memref<8x2048xf32, #tpu.memory_space<hbm>>
      tpu.enqueue_dma source(%arg6 : memref<8x2048xf32, #tpu.memory_space<vmem>>) target(%dma_start3A_75 : memref<8x2048xf32, #tpu.memory_space<hbm>>) target_semaphore(%arg14 : memref<!tpu.dma_semaphore, #tpu.memory_space<semaphore_mem>>)
      %add3A_76 = arith.constant 4 : i32
      %add3A_77 = arith.addi %add3A_62, %add3A_76 : i32
      %lt3A = arith.constant 64 : i32
      %lt3A_78 = arith.cmpi slt, %add3A_77, %lt3A : i32
      %convert_element_type3A = arith.extui %lt3A_78 : i1 to i32
      %cond3A = arith.constant 0 : i32
      %cond3A_79 = arith.cmpi ne, %convert_element_type3A, %cond3A : i32
      scf.if %cond3A_79 {
        %dma_wait3A_146 = arith.constant 0 : i32
        %dma_wait3A_147 = tpu.memref_slice %arg4[%add3A_71, %dma_wait3A_146] : memref<16384x2048xf32, #tpu.memory_space<hbm>> -> memref<8x2048xf32, #tpu.memory_space<hbm>>
        %dma_wait3A_148 = arith.constant 0 : i32
        %dma_wait3A_149 = tpu.memref_slice %arg4[%add3A_71, %dma_wait3A_148] : memref<16384x2048xf32, #tpu.memory_space<hbm>> -> memref<8x2048xf32, #tpu.memory_space<hbm>>
        tpu.wait_dma2 semaphore(%arg14 : memref<!tpu.dma_semaphore, #tpu.memory_space<semaphore_mem>>) src(%arg6 : memref<8x2048xf32, #tpu.memory_space<vmem>>) dst(%dma_wait3A_149 : memref<8x2048xf32, #tpu.memory_space<hbm>>)
        %dma_start3A_150 = arith.constant 0 : i32
        %dma_start3A_151 = tpu.memref_slice %arg5[%add3A_77, %dma_start3A_150] : memref<64x8xi32, #tpu.memory_space<vmem>> -> memref<1x8xi32, #tpu.memory_space<vmem>>
        %dma_start3A_152 = tpu.memref_squeeze %dma_start3A_151 : memref<1x8xi32, #tpu.memory_space<vmem>> -> memref<8xi32, #tpu.memory_space<vmem>>
        %dma_start3A_153 = arith.constant 0 : i32
        %dma_start3A_154 = arith.constant 0 : i32
        %dma_start3A_155 = tpu.memref_slice %arg3[%dma_start3A_153, %dma_start3A_154] : memref<32000x2048xf32, #tpu.memory_space<hbm>> -> memref<32000x2048xf32, #tpu.memory_space<hbm>>
        tpu.enqueue_indirect_dma source(%dma_start3A_155 : memref<32000x2048xf32, #tpu.memory_space<hbm>>) target(%arg6 : memref<8x2048xf32, #tpu.memory_space<vmem>>) offsets(%dma_start3A_152 : memref<8xi32, #tpu.memory_space<vmem>>) semaphore(%arg10 : memref<!tpu.dma_semaphore, #tpu.memory_space<semaphore_mem>>)
      } else {
      }
      %add3A_80 = arith.constant 1 : i32
      %add3A_81 = arith.addi %mul3A_60, %add3A_80 : i32
      %dma_wait3A_82 = arith.constant 0 : i32
      %dma_wait3A_83 = tpu.memref_slice %arg5[%add3A_81, %dma_wait3A_82] : memref<64x8xi32, #tpu.memory_space<vmem>> -> memref<1x8xi32, #tpu.memory_space<vmem>>
      %dma_wait3A_84 = tpu.memref_squeeze %dma_wait3A_83 : memref<1x8xi32, #tpu.memory_space<vmem>> -> memref<8xi32, #tpu.memory_space<vmem>>
      %dma_wait3A_85 = arith.constant 0 : i32
      %dma_wait3A_86 = arith.constant 0 : i32
      %dma_wait3A_87 = tpu.memref_slice %arg3[%dma_wait3A_85, %dma_wait3A_86] : memref<32000x2048xf32, #tpu.memory_space<hbm>> -> memref<32000x2048xf32, #tpu.memory_space<hbm>>
      tpu.wait_indirect_dma semaphore(%arg11 : memref<!tpu.dma_semaphore, #tpu.memory_space<semaphore_mem>>) src(%dma_wait3A_87 : memref<32000x2048xf32, #tpu.memory_space<hbm>>) dst(%arg7 : memref<8x2048xf32, #tpu.memory_space<vmem>>)
      %mul3A_88 = arith.constant 8 : i32
      %mul3A_89 = arith.muli %add3A_81, %mul3A_88 : i32
      %add3A_90 = arith.addi %mul3A_2, %mul3A_89 : i32
      %dma_start3A_91 = arith.constant 0 : i32
      %dma_start3A_92 = tpu.memref_slice %arg4[%add3A_90, %dma_start3A_91] : memref<16384x2048xf32, #tpu.memory_space<hbm>> -> memref<8x2048xf32, #tpu.memory_space<hbm>>
      %dma_start3A_93 = arith.constant 0 : i32
      %dma_start3A_94 = tpu.memref_slice %arg4[%add3A_90, %dma_start3A_93] : memref<16384x2048xf32, #tpu.memory_space<hbm>> -> memref<8x2048xf32, #tpu.memory_space<hbm>>
      tpu.enqueue_dma source(%arg7 : memref<8x2048xf32, #tpu.memory_space<vmem>>) target(%dma_start3A_94 : memref<8x2048xf32, #tpu.memory_space<hbm>>) target_semaphore(%arg15 : memref<!tpu.dma_semaphore, #tpu.memory_space<semaphore_mem>>)
      %add3A_95 = arith.constant 4 : i32
      %add3A_96 = arith.addi %add3A_81, %add3A_95 : i32
      %lt3A_97 = arith.constant 64 : i32
      %lt3A_98 = arith.cmpi slt, %add3A_96, %lt3A_97 : i32
      %convert_element_type3A_99 = arith.extui %lt3A_98 : i1 to i32
      %cond3A_100 = arith.constant 0 : i32
      %cond3A_101 = arith.cmpi ne, %convert_element_type3A_99, %cond3A_100 : i32
      scf.if %cond3A_101 {
        %dma_wait3A_146 = arith.constant 0 : i32
        %dma_wait3A_147 = tpu.memref_slice %arg4[%add3A_90, %dma_wait3A_146] : memref<16384x2048xf32, #tpu.memory_space<hbm>> -> memref<8x2048xf32, #tpu.memory_space<hbm>>
        %dma_wait3A_148 = arith.constant 0 : i32
        %dma_wait3A_149 = tpu.memref_slice %arg4[%add3A_90, %dma_wait3A_148] : memref<16384x2048xf32, #tpu.memory_space<hbm>> -> memref<8x2048xf32, #tpu.memory_space<hbm>>
        tpu.wait_dma2 semaphore(%arg15 : memref<!tpu.dma_semaphore, #tpu.memory_space<semaphore_mem>>) src(%arg7 : memref<8x2048xf32, #tpu.memory_space<vmem>>) dst(%dma_wait3A_149 : memref<8x2048xf32, #tpu.memory_space<hbm>>)
        %dma_start3A_150 = arith.constant 0 : i32
        %dma_start3A_151 = tpu.memref_slice %arg5[%add3A_96, %dma_start3A_150] : memref<64x8xi32, #tpu.memory_space<vmem>> -> memref<1x8xi32, #tpu.memory_space<vmem>>
        %dma_start3A_152 = tpu.memref_squeeze %dma_start3A_151 : memref<1x8xi32, #tpu.memory_space<vmem>> -> memref<8xi32, #tpu.memory_space<vmem>>
        %dma_start3A_153 = arith.constant 0 : i32
        %dma_start3A_154 = arith.constant 0 : i32
        %dma_start3A_155 = tpu.memref_slice %arg3[%dma_start3A_153, %dma_start3A_154] : memref<32000x2048xf32, #tpu.memory_space<hbm>> -> memref<32000x2048xf32, #tpu.memory_space<hbm>>
        tpu.enqueue_indirect_dma source(%dma_start3A_155 : memref<32000x2048xf32, #tpu.memory_space<hbm>>) target(%arg7 : memref<8x2048xf32, #tpu.memory_space<vmem>>) offsets(%dma_start3A_152 : memref<8xi32, #tpu.memory_space<vmem>>) semaphore(%arg11 : memref<!tpu.dma_semaphore, #tpu.memory_space<semaphore_mem>>)
      } else {
      }
      %add3A_102 = arith.constant 2 : i32
      %add3A_103 = arith.addi %mul3A_60, %add3A_102 : i32
      %dma_wait3A_104 = arith.constant 0 : i32
      %dma_wait3A_105 = tpu.memref_slice %arg5[%add3A_103, %dma_wait3A_104] : memref<64x8xi32, #tpu.memory_space<vmem>> -> memref<1x8xi32, #tpu.memory_space<vmem>>
      %dma_wait3A_106 = tpu.memref_squeeze %dma_wait3A_105 : memref<1x8xi32, #tpu.memory_space<vmem>> -> memref<8xi32, #tpu.memory_space<vmem>>
      %dma_wait3A_107 = arith.constant 0 : i32
      %dma_wait3A_108 = arith.constant 0 : i32
      %dma_wait3A_109 = tpu.memref_slice %arg3[%dma_wait3A_107, %dma_wait3A_108] : memref<32000x2048xf32, #tpu.memory_space<hbm>> -> memref<32000x2048xf32, #tpu.memory_space<hbm>>
      tpu.wait_indirect_dma semaphore(%arg12 : memref<!tpu.dma_semaphore, #tpu.memory_space<semaphore_mem>>) src(%dma_wait3A_109 : memref<32000x2048xf32, #tpu.memory_space<hbm>>) dst(%arg8 : memref<8x2048xf32, #tpu.memory_space<vmem>>)
      %mul3A_110 = arith.constant 8 : i32
      %mul3A_111 = arith.muli %add3A_103, %mul3A_110 : i32
      %add3A_112 = arith.addi %mul3A_2, %mul3A_111 : i32
      %dma_start3A_113 = arith.constant 0 : i32
      %dma_start3A_114 = tpu.memref_slice %arg4[%add3A_112, %dma_start3A_113] : memref<16384x2048xf32, #tpu.memory_space<hbm>> -> memref<8x2048xf32, #tpu.memory_space<hbm>>
      %dma_start3A_115 = arith.constant 0 : i32
      %dma_start3A_116 = tpu.memref_slice %arg4[%add3A_112, %dma_start3A_115] : memref<16384x2048xf32, #tpu.memory_space<hbm>> -> memref<8x2048xf32, #tpu.memory_space<hbm>>
      tpu.enqueue_dma source(%arg8 : memref<8x2048xf32, #tpu.memory_space<vmem>>) target(%dma_start3A_116 : memref<8x2048xf32, #tpu.memory_space<hbm>>) target_semaphore(%arg16 : memref<!tpu.dma_semaphore, #tpu.memory_space<semaphore_mem>>)
      %add3A_117 = arith.constant 4 : i32
      %add3A_118 = arith.addi %add3A_103, %add3A_117 : i32
      %lt3A_119 = arith.constant 64 : i32
      %lt3A_120 = arith.cmpi slt, %add3A_118, %lt3A_119 : i32
      %convert_element_type3A_121 = arith.extui %lt3A_120 : i1 to i32
      %cond3A_122 = arith.constant 0 : i32
      %cond3A_123 = arith.cmpi ne, %convert_element_type3A_121, %cond3A_122 : i32
      scf.if %cond3A_123 {
        %dma_wait3A_146 = arith.constant 0 : i32
        %dma_wait3A_147 = tpu.memref_slice %arg4[%add3A_112, %dma_wait3A_146] : memref<16384x2048xf32, #tpu.memory_space<hbm>> -> memref<8x2048xf32, #tpu.memory_space<hbm>>
        %dma_wait3A_148 = arith.constant 0 : i32
        %dma_wait3A_149 = tpu.memref_slice %arg4[%add3A_112, %dma_wait3A_148] : memref<16384x2048xf32, #tpu.memory_space<hbm>> -> memref<8x2048xf32, #tpu.memory_space<hbm>>
        tpu.wait_dma2 semaphore(%arg16 : memref<!tpu.dma_semaphore, #tpu.memory_space<semaphore_mem>>) src(%arg8 : memref<8x2048xf32, #tpu.memory_space<vmem>>) dst(%dma_wait3A_149 : memref<8x2048xf32, #tpu.memory_space<hbm>>)
        %dma_start3A_150 = arith.constant 0 : i32
        %dma_start3A_151 = tpu.memref_slice %arg5[%add3A_118, %dma_start3A_150] : memref<64x8xi32, #tpu.memory_space<vmem>> -> memref<1x8xi32, #tpu.memory_space<vmem>>
        %dma_start3A_152 = tpu.memref_squeeze %dma_start3A_151 : memref<1x8xi32, #tpu.memory_space<vmem>> -> memref<8xi32, #tpu.memory_space<vmem>>
        %dma_start3A_153 = arith.constant 0 : i32
        %dma_start3A_154 = arith.constant 0 : i32
        %dma_start3A_155 = tpu.memref_slice %arg3[%dma_start3A_153, %dma_start3A_154] : memref<32000x2048xf32, #tpu.memory_space<hbm>> -> memref<32000x2048xf32, #tpu.memory_space<hbm>>
        tpu.enqueue_indirect_dma source(%dma_start3A_155 : memref<32000x2048xf32, #tpu.memory_space<hbm>>) target(%arg8 : memref<8x2048xf32, #tpu.memory_space<vmem>>) offsets(%dma_start3A_152 : memref<8xi32, #tpu.memory_space<vmem>>) semaphore(%arg12 : memref<!tpu.dma_semaphore, #tpu.memory_space<semaphore_mem>>)
      } else {
      }
      %add3A_124 = arith.constant 3 : i32
      %add3A_125 = arith.addi %mul3A_60, %add3A_124 : i32
      %dma_wait3A_126 = arith.constant 0 : i32
      %dma_wait3A_127 = tpu.memref_slice %arg5[%add3A_125, %dma_wait3A_126] : memref<64x8xi32, #tpu.memory_space<vmem>> -> memref<1x8xi32, #tpu.memory_space<vmem>>
      %dma_wait3A_128 = tpu.memref_squeeze %dma_wait3A_127 : memref<1x8xi32, #tpu.memory_space<vmem>> -> memref<8xi32, #tpu.memory_space<vmem>>
      %dma_wait3A_129 = arith.constant 0 : i32
      %dma_wait3A_130 = arith.constant 0 : i32
      %dma_wait3A_131 = tpu.memref_slice %arg3[%dma_wait3A_129, %dma_wait3A_130] : memref<32000x2048xf32, #tpu.memory_space<hbm>> -> memref<32000x2048xf32, #tpu.memory_space<hbm>>
      tpu.wait_indirect_dma semaphore(%arg13 : memref<!tpu.dma_semaphore, #tpu.memory_space<semaphore_mem>>) src(%dma_wait3A_131 : memref<32000x2048xf32, #tpu.memory_space<hbm>>) dst(%arg9 : memref<8x2048xf32, #tpu.memory_space<vmem>>)
      %mul3A_132 = arith.constant 8 : i32
      %mul3A_133 = arith.muli %add3A_125, %mul3A_132 : i32
      %add3A_134 = arith.addi %mul3A_2, %mul3A_133 : i32
      %dma_start3A_135 = arith.constant 0 : i32
      %dma_start3A_136 = tpu.memref_slice %arg4[%add3A_134, %dma_start3A_135] : memref<16384x2048xf32, #tpu.memory_space<hbm>> -> memref<8x2048xf32, #tpu.memory_space<hbm>>
      %dma_start3A_137 = arith.constant 0 : i32
      %dma_start3A_138 = tpu.memref_slice %arg4[%add3A_134, %dma_start3A_137] : memref<16384x2048xf32, #tpu.memory_space<hbm>> -> memref<8x2048xf32, #tpu.memory_space<hbm>>
      tpu.enqueue_dma source(%arg9 : memref<8x2048xf32, #tpu.memory_space<vmem>>) target(%dma_start3A_138 : memref<8x2048xf32, #tpu.memory_space<hbm>>) target_semaphore(%arg17 : memref<!tpu.dma_semaphore, #tpu.memory_space<semaphore_mem>>)
      %add3A_139 = arith.constant 4 : i32
      %add3A_140 = arith.addi %add3A_125, %add3A_139 : i32
      %lt3A_141 = arith.constant 64 : i32
      %lt3A_142 = arith.cmpi slt, %add3A_140, %lt3A_141 : i32
      %convert_element_type3A_143 = arith.extui %lt3A_142 : i1 to i32
      %cond3A_144 = arith.constant 0 : i32
      %cond3A_145 = arith.cmpi ne, %convert_element_type3A_143, %cond3A_144 : i32
      scf.if %cond3A_145 {
        %dma_wait3A_146 = arith.constant 0 : i32
        %dma_wait3A_147 = tpu.memref_slice %arg4[%add3A_134, %dma_wait3A_146] : memref<16384x2048xf32, #tpu.memory_space<hbm>> -> memref<8x2048xf32, #tpu.memory_space<hbm>>
        %dma_wait3A_148 = arith.constant 0 : i32
        %dma_wait3A_149 = tpu.memref_slice %arg4[%add3A_134, %dma_wait3A_148] : memref<16384x2048xf32, #tpu.memory_space<hbm>> -> memref<8x2048xf32, #tpu.memory_space<hbm>>
        tpu.wait_dma2 semaphore(%arg17 : memref<!tpu.dma_semaphore, #tpu.memory_space<semaphore_mem>>) src(%arg9 : memref<8x2048xf32, #tpu.memory_space<vmem>>) dst(%dma_wait3A_149 : memref<8x2048xf32, #tpu.memory_space<hbm>>)
        %dma_start3A_150 = arith.constant 0 : i32
        %dma_start3A_151 = tpu.memref_slice %arg5[%add3A_140, %dma_start3A_150] : memref<64x8xi32, #tpu.memory_space<vmem>> -> memref<1x8xi32, #tpu.memory_space<vmem>>
        %dma_start3A_152 = tpu.memref_squeeze %dma_start3A_151 : memref<1x8xi32, #tpu.memory_space<vmem>> -> memref<8xi32, #tpu.memory_space<vmem>>
        %dma_start3A_153 = arith.constant 0 : i32
        %dma_start3A_154 = arith.constant 0 : i32
        %dma_start3A_155 = tpu.memref_slice %arg3[%dma_start3A_153, %dma_start3A_154] : memref<32000x2048xf32, #tpu.memory_space<hbm>> -> memref<32000x2048xf32, #tpu.memory_space<hbm>>
        tpu.enqueue_indirect_dma source(%dma_start3A_155 : memref<32000x2048xf32, #tpu.memory_space<hbm>>) target(%arg9 : memref<8x2048xf32, #tpu.memory_space<vmem>>) offsets(%dma_start3A_152 : memref<8xi32, #tpu.memory_space<vmem>>) semaphore(%arg13 : memref<!tpu.dma_semaphore, #tpu.memory_space<semaphore_mem>>)
      } else {
      }
    }
    %scan3A_34 = arith.constant 16 : i32
    %add3A_35 = arith.constant 480 : i32
    %add3A_36 = arith.addi %mul3A_2, %add3A_35 : i32
    %dma_wait3A = arith.constant 0 : i32
    %dma_wait3A_37 = tpu.memref_slice %arg4[%add3A_36, %dma_wait3A] : memref<16384x2048xf32, #tpu.memory_space<hbm>> -> memref<8x2048xf32, #tpu.memory_space<hbm>>
    %dma_wait3A_38 = arith.constant 0 : i32
    %dma_wait3A_39 = tpu.memref_slice %arg4[%add3A_36, %dma_wait3A_38] : memref<16384x2048xf32, #tpu.memory_space<hbm>> -> memref<8x2048xf32, #tpu.memory_space<hbm>>
    tpu.wait_dma2 semaphore(%arg14 : memref<!tpu.dma_semaphore, #tpu.memory_space<semaphore_mem>>) src(%arg6 : memref<8x2048xf32, #tpu.memory_space<vmem>>) dst(%dma_wait3A_39 : memref<8x2048xf32, #tpu.memory_space<hbm>>)
    %add3A_40 = arith.constant 488 : i32
    %add3A_41 = arith.addi %mul3A_2, %add3A_40 : i32
    %dma_wait3A_42 = arith.constant 0 : i32
    %dma_wait3A_43 = tpu.memref_slice %arg4[%add3A_41, %dma_wait3A_42] : memref<16384x2048xf32, #tpu.memory_space<hbm>> -> memref<8x2048xf32, #tpu.memory_space<hbm>>
    %dma_wait3A_44 = arith.constant 0 : i32
    %dma_wait3A_45 = tpu.memref_slice %arg4[%add3A_41, %dma_wait3A_44] : memref<16384x2048xf32, #tpu.memory_space<hbm>> -> memref<8x2048xf32, #tpu.memory_space<hbm>>
    tpu.wait_dma2 semaphore(%arg15 : memref<!tpu.dma_semaphore, #tpu.memory_space<semaphore_mem>>) src(%arg7 : memref<8x2048xf32, #tpu.memory_space<vmem>>) dst(%dma_wait3A_45 : memref<8x2048xf32, #tpu.memory_space<hbm>>)
    %add3A_46 = arith.constant 496 : i32
    %add3A_47 = arith.addi %mul3A_2, %add3A_46 : i32
    %dma_wait3A_48 = arith.constant 0 : i32
    %dma_wait3A_49 = tpu.memref_slice %arg4[%add3A_47, %dma_wait3A_48] : memref<16384x2048xf32, #tpu.memory_space<hbm>> -> memref<8x2048xf32, #tpu.memory_space<hbm>>
    %dma_wait3A_50 = arith.constant 0 : i32
    %dma_wait3A_51 = tpu.memref_slice %arg4[%add3A_47, %dma_wait3A_50] : memref<16384x2048xf32, #tpu.memory_space<hbm>> -> memref<8x2048xf32, #tpu.memory_space<hbm>>
    tpu.wait_dma2 semaphore(%arg16 : memref<!tpu.dma_semaphore, #tpu.memory_space<semaphore_mem>>) src(%arg8 : memref<8x2048xf32, #tpu.memory_space<vmem>>) dst(%dma_wait3A_51 : memref<8x2048xf32, #tpu.memory_space<hbm>>)
    %add3A_52 = arith.constant 504 : i32
    %add3A_53 = arith.addi %mul3A_2, %add3A_52 : i32
    %dma_wait3A_54 = arith.constant 0 : i32
    %dma_wait3A_55 = tpu.memref_slice %arg4[%add3A_53, %dma_wait3A_54] : memref<16384x2048xf32, #tpu.memory_space<hbm>> -> memref<8x2048xf32, #tpu.memory_space<hbm>>
    %dma_wait3A_56 = arith.constant 0 : i32
    %dma_wait3A_57 = tpu.memref_slice %arg4[%add3A_53, %dma_wait3A_56] : memref<16384x2048xf32, #tpu.memory_space<hbm>> -> memref<8x2048xf32, #tpu.memory_space<hbm>>
    tpu.wait_dma2 semaphore(%arg17 : memref<!tpu.dma_semaphore, #tpu.memory_space<semaphore_mem>>) src(%arg9 : memref<8x2048xf32, #tpu.memory_space<vmem>>) dst(%dma_wait3A_57 : memref<8x2048xf32, #tpu.memory_space<hbm>>)
    return
  }
}

</mosaic_0001>

<sc_bundles>
// kernel: _emb_lookup.3.cloned.1.call-start
scs
__scs_entry_jumppad:
0x0: {  	(pc) =	sbr.rel $0x88, $3  }
0x1: {  	(tag) =	ssettag $0x0;
	lr =	simm.s32 $0x1  }
0x2: {  	[smem:$0x3F9F] =	sst lr;
	_ =	strace $0xD0000000  }
0x3: {  	_ = 	snop  }
0x4: {  	_ = 	snop  }
0x5: {  	_ = 	snop  }
0x6: {  	_ = 	snop  }
0x7: {  	_ = 	snop  }
__scs_overlays_trampoline_lowered:
0x8: {  	[smem:$0x3FAE] =	sst s0  }
0x9: {  	[smem:$0x3FAF] =	sst s1  }
0xa: {  	[smem:$0x3FB0] =	sst s2  }
0xb: {  	[smem:$0x3FB1] =	sst s3  }
0xc: {  	[smem:$0x3FB2] =	sst s4  }
0xd: {  	[smem:$0x3FB3] =	sst s5  }
0xe: {  	[smem:$0x3FB4] =	sst s6  }
0xf: {  	[smem:$0x3FB5] =	sst s7  }
0x10: {  	[smem:$0x3FB6] =	sst s8  }
0x11: {  	[smem:$0x3FB7] =	sst s9;
	s0 =	simm.s32 @!p0 $0x0  }
0x12: {  	s1 =	sld [smem:$0x3F9D];
	s0 =	simm.s32 @p0 $0x1  }
0x13: {  	[smem:$0x3FB8] =	sst s0;
	s0 =	simm.s32 @!p1 $0x0  }
0x14: {  	s2 =	sld [smem:$0x3F9C];
	s0 =	simm.s32 @p1 $0x1  }
0x15: {  	[smem:$0x3FB9] =	sst s0;
	s0 =	simm.s32 @!p2 $0x0  }
0x16: {  	s3 =	sld [smem:$0x3FDB];
	s0 =	simm.s32 @p2 $0x1  }
0x17: {  	s4 =	simm.s32 $0x1BF5;
	[smem:$0x3FBB] =	sst s0  }
0x18: {  	s0 =	sld [smem:$0x3F9E];
	_ =	swait.ge [sflag:s4], $0x0  }
0x19: {  	s7 =	sld [smem:$0x3F9F]  }
0x1a: {  	s8 =	sadd.s32 $0xFFFFE003, lr  }
0x1b: {  	s9 =	sadd.s32 $0xFFFFFEF7, lr;
	s5 =	simm.s32 $0xFFFFFFFF;
	p2 =	slt.u32 s8, $0xFFFFF086  }
0x1c: {  	p1 =	slt.u32 s9, $0xF7A;
	s5 =	simm.s32 @!p2 $0x0  }
0x1d: {  	s5 =	simm.s32 @p1 $0x1;
	p0 =	seq.s32 s7, s2  }
0x1e: {  	s7 =	smul.u32 @!p0 $0xF7A, s2;
	p2 =	seq.s32 @!p0 s5, $0x0  }
0x1f: {  	s9 =	smul.u32 $0xF7A, s1;
	s8 =	simm.s32 @!p0 $0x1BF5;
	p2 =	por !p2, p0  }
0x20: {  	[sflag:s8] =	ssyncset.s32 @!p0 $0xFFFFF086;
	s6 =	sadd.s32 @!p0 s3, s7;
	s7 =	simm.s32 @!p0 $0x108  }
0x21: {  	s3 =	sadd.s32 s3, s9;
	s6 =	sadd.s32 @!p0 $0x88, s6;
	s7 =	simm.s32 @p2 $0x1082  }
0x22: {  	[simem:s7], [sflag:s8] =	dma.local @!p0 [hbm:s6], $0xF7A  }
0x23: {  	s9 =	sor.u32 $0xD0000000, s2;
	s6 =	simm.s32 $0x108;
	_ =	swait.ge @!p0 [sflag:s8], $0x0  }
0x24: {  	s3 =	sadd.s32 $0x88, s3;
	s6 =	simm.s32 @!p1 $0x1082;
	[sflag:s4] =	ssyncset.s32 $0xFFFFF086  }
0x25: {  	[simem:s6], [sflag:s4] =	dma.local [hbm:s3], $0xF7A  }
0x26: {  	[smem:$0x3F9F] =	sst s1;
	(tag) =	ssettag s2;
	_ =	strace s9  }
0x27: {  	s1 =	sld [smem:$0x3FAF]  }
0x28: {  	s2 =	sld [smem:$0x3FB0]  }
0x29: {  	s4 =	sld [smem:$0x3FB2]  }
0x2a: {  	p0 =	seq.s32 s5, $0x0;
	s5 =	sld [smem:$0x3FB3]  }
0x2b: {  	s6 =	sld [smem:$0x3FB4]  }
0x2c: {  	s7 =	sld [smem:$0x3FB5]  }
0x2d: {  	s3 =	simm.s32 $0x108;
	s8 =	sld [smem:$0x3FB6]  }
0x2e: {  	s3 =	simm.s32 @!p0 $0x1082;
	s9 =	sld [smem:$0x3FB7]  }
0x2f: {  	lr =	sadd.s32 s0, s3;
	s0 =	sld [smem:$0x3FAE]  }
0x30: {  	s3 =	sld [smem:$0x3FB1]  }
0x31: {  	[smem:$0x3FBA] =	sst s10  }
0x32: {  	s10 =	sld [smem:$0x3FB8];
	_ =	sdelay $0x3  }
0x33: {  	p0 =	seq.s32 s10, $0x1;
	s10 =	sld [smem:$0x3FBA];
	_ =	sdelay $0x3  }
0x34: {  	[smem:$0x3FBA] =	sst s10  }
0x35: {  	s10 =	sld [smem:$0x3FB9];
	_ =	sdelay $0x3  }
0x36: {  	p1 =	seq.s32 s10, $0x1;
	s10 =	sld [smem:$0x3FBA];
	_ =	sdelay $0x3  }
0x37: {  	[smem:$0x3FBA] =	sst s10  }
0x38: {  	s10 =	sld [smem:$0x3FBB]  }
0x39: {  	_ = 	snop;
	(pc) =	sbr.ind lr, $3  }
0x3a: {  	_ = 	snop  }
0x3b: {  	_ = 	snop  }
0x3c: {  	p2 =	seq.s32 s10, $0x1;
	s10 =	sld [smem:$0x3FBA]  }
0x3d: {  	_ =	shalt  }
0x3e: {  	_ =	shalt  }
0x3f: {  	_ =	shalt  }
0x40: {  	_ =	shalt  }
0x41: {  	_ =	shalt  }
0x42: {  	_ =	shalt  }
0x43: {  	_ =	shalt  }
0x44: {  	_ =	shalt  }
0x45: {  	_ =	shalt  }
0x46: {  	_ =	shalt  }
0x47: {  	_ =	shalt  }
0x48: {  	_ =	shalt  }
0x49: {  	_ =	shalt  }
0x4a: {  	_ =	shalt  }
0x4b: {  	_ =	shalt  }
0x4c: {  	_ =	shalt  }
0x4d: {  	_ =	shalt  }
0x4e: {  	_ =	shalt  }
0x4f: {  	_ =	shalt  }
0x50: {  	_ =	shalt  }
0x51: {  	_ =	shalt  }
0x52: {  	_ =	shalt  }
0x53: {  	_ =	shalt  }
0x54: {  	_ =	shalt  }
0x55: {  	_ =	shalt  }
0x56: {  	_ =	shalt  }
0x57: {  	_ =	shalt  }
0x58: {  	_ =	shalt  }
0x59: {  	_ =	shalt  }
0x5a: {  	_ =	shalt  }
0x5b: {  	_ =	shalt  }
0x5c: {  	_ =	shalt  }
0x5d: {  	_ =	shalt  }
0x5e: {  	_ =	shalt  }
0x5f: {  	_ =	shalt  }
0x60: {  	_ =	shalt  }
0x61: {  	_ =	shalt  }
0x62: {  	_ =	shalt  }
0x63: {  	_ =	shalt  }
0x64: {  	_ =	shalt  }
0x65: {  	_ =	shalt  }
0x66: {  	_ =	shalt  }
0x67: {  	_ =	shalt  }
0x68: {  	_ =	shalt  }
0x69: {  	_ =	shalt  }
0x6a: {  	_ =	shalt  }
0x6b: {  	_ =	shalt  }
0x6c: {  	_ =	shalt  }
0x6d: {  	_ =	shalt  }
0x6e: {  	_ =	shalt  }
0x6f: {  	_ =	shalt  }
0x70: {  	_ =	shalt  }
0x71: {  	_ =	shalt  }
0x72: {  	_ =	shalt  }
0x73: {  	_ =	shalt  }
0x74: {  	_ =	shalt  }
0x75: {  	_ =	shalt  }
0x76: {  	_ =	shalt  }
0x77: {  	_ =	shalt  }
0x78: {  	_ =	shalt  }
0x79: {  	_ =	shalt  }
0x7a: {  	_ =	shalt  }
0x7b: {  	_ =	shalt  }
0x7c: {  	_ =	shalt  }
0x7d: {  	_ =	shalt  }
0x7e: {  	_ =	shalt  }
0x7f: {  	_ =	shalt  }
0x80: {  	_ =	shalt  }
0x81: {  	_ =	shalt  }
0x82: {  	_ =	shalt  }
0x83: {  	_ =	shalt  }
0x84: {  	_ =	shalt  }
0x85: {  	_ =	shalt  }
0x86: {  	_ =	shalt  }
0x87: {  	_ =	shalt  }
.Lfunc_end0:
.L_simem_size_0:
called_computation_lowered:
.L_overlay_start_0:
0x88: {  	s2 =	sld [smem:$0x3FD9]  }
0x89: {  	s3 =	sld [smem:$0x3FFE];
	_ =	sdelay $0x1  }
0x8a: {  	s1 =	srdreg.scid  }
0x8b: {  	s0 =	sand.u32 $0x1, s1  }
0x8c: {  	s17 =	sshll.u32 s0, $0xA;
	s2 =	sadd.s32 s3, s2  }
0x8d: {  	s2 =	sadd.s32 s2, s17  }
0x8e: {  	[smem:$0x3FC6] =	sst s2  }
0x8f: {  	_ = 	snop  }
0x90: {  	s2 =	sld [smem:$0x3FC8]  }
0x91: {  	s18 =	sld [smem:$0x3FD0];
	(tm) =	ssettm $0x1  }
0x92: {  	s4 =	sld [smem:$0x3FFB];
	_ =	sdelay $0x3  }
0x93: {  	_ =	strace s4  }
0x94: {  	s4 =	sld [smem:$0x3FFC];
	_ =	sdelay $0x3  }
0x95: {  	_ =	strace s4  }
0x96: {  	s4 =	sld [smem:$0x3FFD];
	_ =	sdelay $0x3  }
0x97: {  	_ =	strace s4  }
0x98: {  	_ =	strace $0x8FFFFFFF  }
0x99: {  	s19 =	sld [smem:$0x3FDB];
	_ =	sdelay $0x1  }
0x9a: {  	s5 =	simm.s32 $_scs_section_size  }
0x9b: {  	s6 =	simm.s32 $_size__tile_overlayer_lowered;
	s7 =	simm.s32 $_tile_overlayer_lowered  }
0x9c: {  	s22 =	simm.s32 $0x1BFF;
	s21 =	sshll.u32 s7, $0x1;
	s4 =	sadd.s32 s5, s19  }
0x9d: {  	s8 =	simm.s32 $0x0;
	s20 =	sshll.u32 s6, $0x1;
	s6 =	sadd.s32 s21, s4  }
0x9e: {  	[timem:s8], [sflag:s22] =	dma.local [hbm:s6], s20  }
0x9f: {  	_ =	swait.ge [sflag:s22], s20  }
0xa0: {  	s5 =	ssub.s32 $0x0, s20;
	[sflag:s22] =	ssyncset.done $0x0  }
0xa1: {  	[sflag:s22] =	ssyncadd.s32 s5;
	_ =	sdelay $0x1  }
0xa2: {  	s23 =	simm.s32 $0x1B8B  }
0xa3: {  	_ =	swait.ge [sflag:s23], $0x1  }
0xa4: {  	[sflag:s23] =	ssyncset.done $0x0  }
0xa5: {  	s25 =	simm.s32 $0x1B8E;
	s24 =	sld [smem:$0x3FFE];
	[sflag:s23] =	ssyncadd.s32 $0xFFFFFFFF  }
0xa6: {  	s26 =	simm.s32 $execute0_lowered;
	[smem:$0x3FD2] =	sst s25  }
0xa7: {  	s6 =	sshll.u32 s26, $0x1;
	_ =	strace $0x80000046;
	[dreg:$0x1] =	wrdreg $0xFFFFFFFF  }
0xa8: {  	s28 =	simm.s32 $_size_execute0_lowered;
	s4 =	sadd.s32 s4, s6;
	[dreg:$0x0] =	wrdreg $0x0  }
0xa9: {  	s6 =	sshll.u32 s28, $0x1;
	[dreg:$0x2] =	wrdreg s4  }
0xaa: {  	[dreg:$0x3] =	wrdreg s6  }
0xab: {  	[dreg:$0x4] =	wrdreg $0xC0  }
0xac: {  	_ =	task [dreg:s8], $0x5FFFF  }
0xad: {  	[dreg:$0x1] =	wrdreg $0xFFFFFFFF  }
0xae: {  	[dreg:$0x0] =	wrdreg $0x60  }
0xaf: {  	[dreg:$0x2] =	wrdreg s24  }
0xb0: {  	[dreg:$0x3] =	wrdreg s2  }
0xb1: {  	[dreg:$0x4] =	wrdreg s18  }
0xb2: {  	[dreg:$0x5] =	wrdreg $0x9  }
0xb3: {  	_ =	task.clear_ibuf [dreg:s8], $0x6FFFF;
	_ =	strace $0x90000046  }
0xb4: {  	s29 =	simm.s32 $0x9;
	_ =	strace $0x80000048  }
0xb5: {  	_ =	swait.ge [sflag:s29], $0x1  }
0xb6: {  	[sflag:s29] =	ssyncadd.s32 $0xFFFFFFFF  }
0xb7: {  	_ =	strace $0x90000048  }
0xb8: {  	_ =	sfence  }
0xb9: {  	s30 =	sld [smem:$0x0];
	_ =	sdelay $0x2  }
0xba: {  	s31 =	sshll.u32 s1, $0xD;
	s1 =	sshrl.u32 s1, $0x2  }
0xbb: {  	s3 =	sand.u32 $0x4000, s31;
	s1 =	sadd.s32 s1, s30  }
0xbc: {  	s0 =	sor.u32 s3, s0;
	s1 =	sshll.u32 s1, $0x11  }
0xbd: {  	s0 =	sor.u32 s1, s0  }
0xbe: {  	s0 =	sadd.s32 $0x8F2B, s0  }
0xbf: {  	[sflag:s0] =	ssyncadd.remote.s32 $0x1  }
0xc0: {  	_ =	sfence.sel $0xFFFF  }
0xc1: {  	[dreg:$0x0] =	wrdreg $0xFFFFFFFF;
	(pc) =	sbr.abs _section_cstart, $3  }
0xc2: {  	[dreg:$0x1] =	wrdreg $0xFFFFFFFF  }
0xc3: {  	_ =	task.clear_ibuf [dreg:s8], $0x2FFFF;
	_ =	strace $0x9FFFFFFF  }
0xc4: {  	(tm) =	ssettm $0x7FFFFFFF  }
0xc5: {  	_ =	shalt  }
tec
execute0_lowered:
.L_overlay_start_1:
0x0: {  	(tag) =	ssettag $0x1  }
0x1: {  	s0 =	rddreg [dreg:$0x0]  }
0x2: {  	s2 =	rddreg [dreg:$0x1]  }
0x3: {  	s1 =	srdreg.scid;
	s4 =	rddreg [dreg:$0x2]  }
0x4: {  	s10 =	stileid.u32;
	s3 =	simm.s32 $0x0;
	s15 =	simm.s32 $0x2000  }
0x5: {  	s22 =	simm.s32 $0xE000;
	s28 =	simm.s32 $0x10000;
	s29 =	simm.s32 $0x10800  }
0x6: {  	s30 =	simm.s32 $0x11000;
	s31 =	simm.s32 $0x11800;
	s16 =	simm.s32 $0x2  }
0x7: {  	s17 =	simm.s32 $0x3;
	s18 =	simm.s32 $0x4;
	s14 =	simm.s32 $0x0  }
0x8: {  	s1 =	sand.u32 $0x1, s1;
	s5 =	sshll.u32 s10, $0xB;
	[smem:$0x7FF] =	sst s3  }
0x9: {  	s7 =	sadd.s32 $0x300, s2;
	s8 =	sadd.s32 $0x400, s2;
	s9 =	sadd.s32 $0x500, s2  }
0xa: {  	s25 =	sshll.u32 s10, $0x12;
	s10 =	sadd.s32 $0x600, s2;
	s11 =	sadd.s32 $0x700, s2  }
0xb: {  	s6 =	sshll.u32 s1, $0xA;
	s23 =	ssub.s32 $0x2, s1;
	_ =	strace $0x80000047  }
0xc: {  	s1 =	sshll.u32 s1, $0x11;
	s5 =	sor.u32 s6, s5;
	s24 =	sshrl.u32 s23, $0x1  }
0xd: {  	s6 =	sadd.s32 $0x200, s2;
	s0 =	sadd.s32 s5, s0;
	s12 =	ssub.s32 s23, s24  }
.Ltmp0:
0xe: {  	s5 =	sadd.s32 $0x100, s2;
	s0 =	sadd.s32 $0x400, s0;
	(pc) =	sbr.rel .LBB2_1-.Ltmp0, $4  }
0xf: {  	s23 =	simm.s32 $0x6000;
	s26 =	smax.u32 s12, $0x1;
	[dreg:$0x4] =	wrdreg s0  }
0x10: {  	v0 =	vlaneseq.u32;
	s24 =	simm.s32 $0xE800;
	s0 =	sadd.s32 s25, s4;
	[dreg:$0x5] =	wrdreg s26  }
0x11: {  	v1 =	vshrl.u32 v0, $0x3;
	s25 =	simm.s32 $0xF000;
	s26 =	simm.s32 $0xF800;
	s4 =	simm.s32 $0x8  }
0x12: {  	vm0 =	vmmov $0xffff;
	v0 =	vand.u32 $0x7, v0;
	v1 =	vmul.u32 $0x8, v1;
	s13 =	sadd.s32 s1, s0;
	s0 =	simm.s32 $0xA000;
	s1 =	simm.s32 $0x1  }
.LBB2_4:
0x13: {  	s12 =	simm.s32 $0x5  }
0x14: {  	_ =	swait.ge [sflag:s12], $0x4000  }
0x15: {  	[sflag:s12] =	ssyncset.done $0x0  }
0x16: {  	s19 =	simm.s32 $0x6;
	[sflag:s12] =	ssyncadd.s32 $0xFFFFC000  }
0x17: {  	_ =	swait.ge [sflag:s19], $0x4000  }
0x18: {  	[sflag:s19] =	ssyncset.done $0x0  }
0x19: {  	s20 =	simm.s32 $0x7;
	[sflag:s19] =	ssyncadd.s32 $0xFFFFC000  }
0x1a: {  	_ =	swait.ge [sflag:s20], $0x4000  }
0x1b: {  	[sflag:s20] =	ssyncset.done $0x0  }
0x1c: {  	[sflag:s20] =	ssyncadd.s32 $0xFFFFC000  }
0x1d: {  	_ =	swait.ge [sflag:s4], $0x4000  }
0x1e: {  	s14 =	rddreg [dreg:$0x6]  }
0x1f: {  	s21 =	rddreg [dreg:$0x5];
	s14 =	sadd.s32 $0x1, s14  }
0x20: {  	p0 =	sne.s32 s14, s21  }
.Ltmp1:
0x21: {  	_ = 	snop;
	(pc) =	sbr.rel @!p0 .LBB2_5-.Ltmp1, $3  }
0x22: {  	_ =	sdelay $0x1  }
0x23: {  	[sflag:s4] =	ssyncset.done $0x0  }
0x24: {  	[sflag:s4] =	ssyncadd.s32 $0xFFFFC000  }
.LBB2_1:
0x25: {  	[dreg:$0x6] =	wrdreg s14  }
0x26: {  	s12 =	rddreg [dreg:$0x4];
	s20 =	simm.s32 $0x9  }
0x27: {  	[tilespmem:s3], [sflag:$0x9] =	stream.linear.gather [hbm4b:s12+s3], $0x2000, $0x38;
	[tilespmem:$0x12000] =	vst v63  }
0x28: {  	_ =	swait.ge [sflag:s20], $0x2000  }
0x29: {  	[sflag:s20] =	ssyncset.done $0x0  }
0x2a: {  	[sflag:s20] =	ssyncadd.s32 $0xFFFFE000  }
0x2b: {  	v2 =	vld.msk [tilespmem:$0x0], $0xff;
	_ =	sdelay $0x4  }
0x2c: {  	v3 =	vshll.u32 v2, $0x4  }
0x2d: {  	v2 =	vand.u32 $0x7, v2;
	v3 =	vand.u32 $0xFFFFFF80, v3  }
0x2e: {  	v2 =	vor.u32 v2, v3  }
0x2f: {  	v2 =	vperm.xlane v2, v0;
	_ =	sdelay $0x1  }
0x30: {  	v2 =	vadd.s32 v1, v2;
	_ =	sdelay $0x4  }
0x31: {  	[tilespmem:s15], [sflag:$0x1] =	stream.indirect_vreg.gather [hbm4b:s2+s3], $0x80, v2, vm0, $0xb8;
	[tilespmem:$0x12000] =	vst v63  }
0x32: {  	s21 =	simm.s32 $0x2800  }
0x33: {  	[tilespmem:s21], [sflag:$0x1] =	stream.indirect_vreg.gather [hbm4b:s5+s3], $0x80, v2, vm0, $0xb8;
	[tilespmem:$0x12000] =	vst v63  }
0x34: {  	s14 =	simm.s32 $0x3000  }
0x35: {  	[tilespmem:s14], [sflag:$0x1] =	stream.indirect_vreg.gather [hbm4b:s6+s3], $0x80, v2, vm0, $0xb8;
	[tilespmem:$0x12000] =	vst v63  }
0x36: {  	s19 =	simm.s32 $0x3800  }
0x37: {  	[tilespmem:s19], [sflag:$0x1] =	stream.indirect_vreg.gather [hbm4b:s7+s3], $0x80, v2, vm0, $0xb8;
	[tilespmem:$0x12000] =	vst v63  }
0x38: {  	s20 =	simm.s32 $0x4000  }
0x39: {  	[tilespmem:s20], [sflag:$0x1] =	stream.indirect_vreg.gather [hbm4b:s8+s3], $0x80, v2, vm0, $0xb8;
	[tilespmem:$0x12000] =	vst v63  }
0x3a: {  	s21 =	simm.s32 $0x4800  }
0x3b: {  	[tilespmem:s21], [sflag:$0x1] =	stream.indirect_vreg.gather [hbm4b:s9+s3], $0x80, v2, vm0, $0xb8;
	[tilespmem:$0x12000] =	vst v63  }
0x3c: {  	s14 =	simm.s32 $0x5000  }
0x3d: {  	[tilespmem:s14], [sflag:$0x1] =	stream.indirect_vreg.gather [hbm4b:s10+s3], $0x80, v2, vm0, $0xb8;
	[tilespmem:$0x12000] =	vst v63  }
0x3e: {  	s19 =	simm.s32 $0x5800  }
0x3f: {  	[tilespmem:s19], [sflag:$0x1] =	stream.indirect_vreg.gather [hbm4b:s11+s3], $0x80, v2, vm0, $0xb8;
	[tilespmem:$0x12000] =	vst v63  }
0x40: {  	v2 =	vld.msk [tilespmem:$0x80], $0xff;
	_ =	sdelay $0x4  }
0x41: {  	v3 =	vshll.u32 v2, $0x4  }
0x42: {  	v2 =	vand.u32 $0x7, v2;
	v3 =	vand.u32 $0xFFFFFF80, v3  }
0x43: {  	v2 =	vor.u32 v2, v3  }
0x44: {  	v2 =	vperm.xlane v2, v0;
	_ =	sdelay $0x1  }
0x45: {  	v2 =	vadd.s32 v1, v2;
	_ =	sdelay $0x4  }
0x46: {  	[tilespmem:s23], [sflag:$0x2] =	stream.indirect_vreg.gather [hbm4b:s2+s3], $0x80, v2, vm0, $0xb8;
	[tilespmem:$0x12000] =	vst v63  }
0x47: {  	s20 =	simm.s32 $0x6800  }
0x48: {  	[tilespmem:s20], [sflag:$0x2] =	stream.indirect_vreg.gather [hbm4b:s5+s3], $0x80, v2, vm0, $0xb8;
	[tilespmem:$0x12000] =	vst v63  }
0x49: {  	s21 =	simm.s32 $0x7000  }
0x4a: {  	[tilespmem:s21], [sflag:$0x2] =	stream.indirect_vreg.gather [hbm4b:s6+s3], $0x80, v2, vm0, $0xb8;
	[tilespmem:$0x12000] =	vst v63  }
0x4b: {  	s14 =	simm.s32 $0x7800  }
0x4c: {  	[tilespmem:s14], [sflag:$0x2] =	stream.indirect_vreg.gather [hbm4b:s7+s3], $0x80, v2, vm0, $0xb8;
	[tilespmem:$0x12000] =	vst v63  }
0x4d: {  	s19 =	simm.s32 $0x8000  }
0x4e: {  	[tilespmem:s19], [sflag:$0x2] =	stream.indirect_vreg.gather [hbm4b:s8+s3], $0x80, v2, vm0, $0xb8;
	[tilespmem:$0x12000] =	vst v63  }
0x4f: {  	s20 =	simm.s32 $0x8800  }
0x50: {  	[tilespmem:s20], [sflag:$0x2] =	stream.indirect_vreg.gather [hbm4b:s9+s3], $0x80, v2, vm0, $0xb8;
	[tilespmem:$0x12000] =	vst v63  }
0x51: {  	s21 =	simm.s32 $0x9000  }
0x52: {  	[tilespmem:s21], [sflag:$0x2] =	stream.indirect_vreg.gather [hbm4b:s10+s3], $0x80, v2, vm0, $0xb8;
	[tilespmem:$0x12000] =	vst v63  }
0x53: {  	s14 =	simm.s32 $0x9800  }
0x54: {  	[tilespmem:s14], [sflag:$0x2] =	stream.indirect_vreg.gather [hbm4b:s11+s3], $0x80, v2, vm0, $0xb8;
	[tilespmem:$0x12000] =	vst v63  }
0x55: {  	v2 =	vld.msk [tilespmem:$0x100], $0xff;
	_ =	sdelay $0x4  }
0x56: {  	v3 =	vshll.u32 v2, $0x4  }
0x57: {  	v2 =	vand.u32 $0x7, v2;
	v3 =	vand.u32 $0xFFFFFF80, v3  }
0x58: {  	v2 =	vor.u32 v2, v3  }
0x59: {  	v2 =	vperm.xlane v2, v0;
	_ =	sdelay $0x1  }
0x5a: {  	v2 =	vadd.s32 v1, v2;
	_ =	sdelay $0x4  }
0x5b: {  	[tilespmem:s0], [sflag:$0x3] =	stream.indirect_vreg.gather [hbm4b:s2+s3], $0x80, v2, vm0, $0xb8;
	[tilespmem:$0x12000] =	vst v63  }
0x5c: {  	s19 =	simm.s32 $0xA800  }
0x5d: {  	[tilespmem:s19], [sflag:$0x3] =	stream.indirect_vreg.gather [hbm4b:s5+s3], $0x80, v2, vm0, $0xb8;
	[tilespmem:$0x12000] =	vst v63  }
0x5e: {  	s20 =	simm.s32 $0xB000  }
0x5f: {  	[tilespmem:s20], [sflag:$0x3] =	stream.indirect_vreg.gather [hbm4b:s6+s3], $0x80, v2, vm0, $0xb8;
	[tilespmem:$0x12000] =	vst v63  }
0x60: {  	s21 =	simm.s32 $0xB800  }
0x61: {  	[tilespmem:s21], [sflag:$0x3] =	stream.indirect_vreg.gather [hbm4b:s7+s3], $0x80, v2, vm0, $0xb8;
	[tilespmem:$0x12000] =	vst v63  }
0x62: {  	s14 =	simm.s32 $0xC000  }
0x63: {  	[tilespmem:s14], [sflag:$0x3] =	stream.indirect_vreg.gather [hbm4b:s8+s3], $0x80, v2, vm0, $0xb8;
	[tilespmem:$0x12000] =	vst v63  }
0x64: {  	s19 =	simm.s32 $0xC800  }
0x65: {  	[tilespmem:s19], [sflag:$0x3] =	stream.indirect_vreg.gather [hbm4b:s9+s3], $0x80, v2, vm0, $0xb8;
	[tilespmem:$0x12000] =	vst v63  }
0x66: {  	s20 =	simm.s32 $0xD000  }
0x67: {  	[tilespmem:s20], [sflag:$0x3] =	stream.indirect_vreg.gather [hbm4b:s10+s3], $0x80, v2, vm0, $0xb8;
	[tilespmem:$0x12000] =	vst v63  }
0x68: {  	s21 =	simm.s32 $0xD800  }
0x69: {  	[tilespmem:s21], [sflag:$0x3] =	stream.indirect_vreg.gather [hbm4b:s11+s3], $0x80, v2, vm0, $0xb8;
	[tilespmem:$0x12000] =	vst v63  }
0x6a: {  	v2 =	vld.msk [tilespmem:$0x180], $0xff;
	_ =	sdelay $0x4  }
0x6b: {  	v3 =	vshll.u32 v2, $0x4  }
0x6c: {  	v2 =	vand.u32 $0x7, v2;
	v3 =	vand.u32 $0xFFFFFF80, v3  }
0x6d: {  	v2 =	vor.u32 v2, v3  }
0x6e: {  	v2 =	vperm.xlane v2, v0;
	_ =	sdelay $0x1  }
0x6f: {  	v2 =	vadd.s32 v1, v2;
	_ =	sdelay $0x4  }
0x70: {  	[tilespmem:s22], [sflag:$0x4] =	stream.indirect_vreg.gather [hbm4b:s2+s3], $0x80, v2, vm0, $0xb8;
	[tilespmem:$0x12000] =	vst v63  }
0x71: {  	_ = 	snop  }
0x72: {  	[tilespmem:s24], [sflag:$0x4] =	stream.indirect_vreg.gather [hbm4b:s5+s3], $0x80, v2, vm0, $0xb8;
	[tilespmem:$0x12000] =	vst v63  }
0x73: {  	_ = 	snop  }
0x74: {  	[tilespmem:s25], [sflag:$0x4] =	stream.indirect_vreg.gather [hbm4b:s6+s3], $0x80, v2, vm0, $0xb8;
	[tilespmem:$0x12000] =	vst v63  }
0x75: {  	_ = 	snop  }
0x76: {  	[tilespmem:s26], [sflag:$0x4] =	stream.indirect_vreg.gather [hbm4b:s7+s3], $0x80, v2, vm0, $0xb8;
	[tilespmem:$0x12000] =	vst v63  }
0x77: {  	_ = 	snop  }
0x78: {  	[tilespmem:s28], [sflag:$0x4] =	stream.indirect_vreg.gather [hbm4b:s8+s3], $0x80, v2, vm0, $0xb8;
	[tilespmem:$0x12000] =	vst v63  }
0x79: {  	_ = 	snop  }
0x7a: {  	[tilespmem:s29], [sflag:$0x4] =	stream.indirect_vreg.gather [hbm4b:s9+s3], $0x80, v2, vm0, $0xb8;
	[tilespmem:$0x12000] =	vst v63  }
0x7b: {  	_ = 	snop  }
0x7c: {  	[tilespmem:s30], [sflag:$0x4] =	stream.indirect_vreg.gather [hbm4b:s10+s3], $0x80, v2, vm0, $0xb8;
	[tilespmem:$0x12000] =	vst v63  }
0x7d: {  	s14 =	simm.s32 $0x380;
	s19 =	simm.s32 $0x0  }
0x7e: {  	[tilespmem:s31], [sflag:$0x4] =	stream.indirect_vreg.gather [hbm4b:s11+s3], $0x80, v2, vm0, $0xb8;
	[tilespmem:$0x12000] =	vst v63  }
.LBB2_2:
0x7f: {  	_ =	swait.ge [sflag:s1], $0x4000  }
0x80: {  	p0 =	seq.s32 s19, $0x1E000;
	[sflag:s1] =	ssyncset.done $0x0  }
0x81: {  	s20 =	sadd.s32 s19, s13;
	s21 =	simm.s32 @!p0 $0x5;
	[sflag:s1] =	ssyncadd.s32 $0xFFFFC000  }
0x82: {  	[hbm4b:s20+s3] =	stream.linear.scatter [tilespmem:s15], [sflag:$0x5], $0x4000, $0x38;
	[tilespmem:$0x12000] =	vst v63  }
0x83: {  	_ =	swait.ge @!p0 [sflag:s21], $0x4000  }
0x84: {  	[sflag:s21] =	ssyncset.done @!p0 $0x0  }
0x85: {  	[sflag:s21] =	ssyncadd.s32 @!p0 $0xFFFFC000  }
0x86: {  	v2 =	vld.msk @!p0 [tilespmem:s14+$0xFFFFFE80], $0xff;
	_ =	sdelay $0x4  }
0x87: {  	v3 =	vshll.u32 @!p0 v2, $0x4  }
0x88: {  	v4 =	vlaneseq.u32 @!p0;
	v2 =	vand.u32 @!p0 $0x7, v2;
	v3 =	vand.u32 @!p0 $0xFFFFFF80, v3  }
0x89: {  	v2 =	vor.u32 @!p0 v2, v3;
	v3 =	vand.u32 @!p0 $0x7, v4;
	v4 =	vshrl.u32 @!p0 v4, $0x3  }
0x8a: {  	v2 =	vperm.xlane @!p0 v2, v3;
	v4 =	vmul.u32 @!p0 $0x8, v4;
	_ =	sdelay $0x1  }
0x8b: {  	v2 =	vadd.s32 @!p0 v4, v2;
	_ =	sdelay $0x3  }
0x8c: {  	vm1 =	vmmov @!p0 $0xffff;
	s12 =	simm.s32 @!p0 $0x2000;
	s21 =	simm.s32 @!p0 $0x0  }
0x8d: {  	[tilespmem:s12], [sflag:$0x1] =	stream.indirect_vreg.gather @!p0 [hbm4b:s2+s21], $0x80, v2, vm1, $0xb8;
	[tilespmem:$0x12000] =	vst v63  }
0x8e: {  	s12 =	simm.s32 @!p0 $0x2800  }
0x8f: {  	[tilespmem:s12], [sflag:$0x1] =	stream.indirect_vreg.gather @!p0 [hbm4b:s5+s21], $0x80, v2, vm1, $0xb8;
	[tilespmem:$0x12000] =	vst v63  }
0x90: {  	s12 =	simm.s32 @!p0 $0x3000  }
0x91: {  	[tilespmem:s12], [sflag:$0x1] =	stream.indirect_vreg.gather @!p0 [hbm4b:s6+s21], $0x80, v2, vm1, $0xb8;
	[tilespmem:$0x12000] =	vst v63  }
0x92: {  	s12 =	simm.s32 @!p0 $0x3800  }
0x93: {  	[tilespmem:s12], [sflag:$0x1] =	stream.indirect_vreg.gather @!p0 [hbm4b:s7+s21], $0x80, v2, vm1, $0xb8;
	[tilespmem:$0x12000] =	vst v63  }
0x94: {  	s12 =	simm.s32 @!p0 $0x4000  }
0x95: {  	[tilespmem:s12], [sflag:$0x1] =	stream.indirect_vreg.gather @!p0 [hbm4b:s8+s21], $0x80, v2, vm1, $0xb8;
	[tilespmem:$0x12000] =	vst v63  }
0x96: {  	s12 =	simm.s32 @!p0 $0x4800  }
0x97: {  	[tilespmem:s12], [sflag:$0x1] =	stream.indirect_vreg.gather @!p0 [hbm4b:s9+s21], $0x80, v2, vm1, $0xb8;
	[tilespmem:$0x12000] =	vst v63  }
0x98: {  	s12 =	simm.s32 @!p0 $0x5000  }
0x99: {  	[tilespmem:s12], [sflag:$0x1] =	stream.indirect_vreg.gather @!p0 [hbm4b:s10+s21], $0x80, v2, vm1, $0xb8;
	[tilespmem:$0x12000] =	vst v63  }
0x9a: {  	s12 =	simm.s32 @!p0 $0x5800  }
0x9b: {  	[tilespmem:s12], [sflag:$0x1] =	stream.indirect_vreg.gather @!p0 [hbm4b:s11+s21], $0x80, v2, vm1, $0xb8;
	[tilespmem:$0x12000] =	vst v63  }
0x9c: {  	_ =	swait.ge [sflag:s16], $0x4000  }
0x9d: {  	[sflag:s16] =	ssyncset.done $0x0  }
0x9e: {  	s12 =	sadd.s32 $0x800, s20;
	[sflag:s16] =	ssyncadd.s32 $0xFFFFC000  }
0x9f: {  	[hbm4b:s12+s3] =	stream.linear.scatter [tilespmem:s23], [sflag:$0x6], $0x4000, $0x38;
	[tilespmem:$0x12000] =	vst v63  }
0xa0: {  	s12 =	simm.s32 @!p0 $0x6  }
0xa1: {  	_ =	swait.ge @!p0 [sflag:s12], $0x4000  }
0xa2: {  	[sflag:s12] =	ssyncset.done @!p0 $0x0  }
0xa3: {  	[sflag:s12] =	ssyncadd.s32 @!p0 $0xFFFFC000  }
0xa4: {  	v2 =	vld.msk @!p0 [tilespmem:s14+$0xFFFFFF00], $0xff;
	_ =	sdelay $0x4  }
0xa5: {  	v5 =	vshll.u32 @!p0 v2, $0x4  }
0xa6: {  	v2 =	vand.u32 @!p0 $0x7, v2;
	v5 =	vand.u32 @!p0 $0xFFFFFF80, v5  }
0xa7: {  	v2 =	vor.u32 @!p0 v2, v5  }
0xa8: {  	v2 =	vperm.xlane @!p0 v2, v3;
	_ =	sdelay $0x1  }
0xa9: {  	v2 =	vadd.s32 @!p0 v4, v2;
	_ =	sdelay $0x3  }
0xaa: {  	s12 =	simm.s32 @!p0 $0x6000  }
0xab: {  	[tilespmem:s12], [sflag:$0x2] =	stream.indirect_vreg.gather @!p0 [hbm4b:s2+s21], $0x80, v2, vm1, $0xb8;
	[tilespmem:$0x12000] =	vst v63  }
0xac: {  	s12 =	simm.s32 @!p0 $0x6800  }
0xad: {  	[tilespmem:s12], [sflag:$0x2] =	stream.indirect_vreg.gather @!p0 [hbm4b:s5+s21], $0x80, v2, vm1, $0xb8;
	[tilespmem:$0x12000] =	vst v63  }
0xae: {  	s12 =	simm.s32 @!p0 $0x7000  }
0xaf: {  	[tilespmem:s12], [sflag:$0x2] =	stream.indirect_vreg.gather @!p0 [hbm4b:s6+s21], $0x80, v2, vm1, $0xb8;
	[tilespmem:$0x12000] =	vst v63  }
0xb0: {  	s12 =	simm.s32 @!p0 $0x7800  }
0xb1: {  	[tilespmem:s12], [sflag:$0x2] =	stream.indirect_vreg.gather @!p0 [hbm4b:s7+s21], $0x80, v2, vm1, $0xb8;
	[tilespmem:$0x12000] =	vst v63  }
0xb2: {  	s12 =	simm.s32 @!p0 $0x8000  }
0xb3: {  	[tilespmem:s12], [sflag:$0x2] =	stream.indirect_vreg.gather @!p0 [hbm4b:s8+s21], $0x80, v2, vm1, $0xb8;
	[tilespmem:$0x12000] =	vst v63  }
0xb4: {  	s12 =	simm.s32 @!p0 $0x8800  }
0xb5: {  	[tilespmem:s12], [sflag:$0x2] =	stream.indirect_vreg.gather @!p0 [hbm4b:s9+s21], $0x80, v2, vm1, $0xb8;
	[tilespmem:$0x12000] =	vst v63  }
0xb6: {  	s12 =	simm.s32 @!p0 $0x9000  }
0xb7: {  	[tilespmem:s12], [sflag:$0x2] =	stream.indirect_vreg.gather @!p0 [hbm4b:s10+s21], $0x80, v2, vm1, $0xb8;
	[tilespmem:$0x12000] =	vst v63  }
0xb8: {  	s12 =	simm.s32 @!p0 $0x9800  }
0xb9: {  	[tilespmem:s12], [sflag:$0x2] =	stream.indirect_vreg.gather @!p0 [hbm4b:s11+s21], $0x80, v2, vm1, $0xb8;
	[tilespmem:$0x12000] =	vst v63  }
0xba: {  	_ =	swait.ge [sflag:s17], $0x4000  }
0xbb: {  	[sflag:s17] =	ssyncset.done $0x0  }
0xbc: {  	s12 =	sadd.s32 $0x1000, s20;
	[sflag:s17] =	ssyncadd.s32 $0xFFFFC000  }
0xbd: {  	[hbm4b:s12+s3] =	stream.linear.scatter [tilespmem:s0], [sflag:$0x7], $0x4000, $0x38;
	[tilespmem:$0x12000] =	vst v63  }
0xbe: {  	s12 =	simm.s32 @!p0 $0x7  }
0xbf: {  	_ =	swait.ge @!p0 [sflag:s12], $0x4000  }
0xc0: {  	[sflag:s12] =	ssyncset.done @!p0 $0x0  }
0xc1: {  	[sflag:s12] =	ssyncadd.s32 @!p0 $0xFFFFC000  }
0xc2: {  	v2 =	vld.msk @!p0 [tilespmem:s14+$0xFFFFFF80], $0xff;
	_ =	sdelay $0x4  }
0xc3: {  	v5 =	vshll.u32 @!p0 v2, $0x4  }
0xc4: {  	v2 =	vand.u32 @!p0 $0x7, v2;
	v5 =	vand.u32 @!p0 $0xFFFFFF80, v5  }
0xc5: {  	v2 =	vor.u32 @!p0 v2, v5  }
0xc6: {  	v2 =	vperm.xlane @!p0 v2, v3;
	_ =	sdelay $0x1  }
0xc7: {  	v2 =	vadd.s32 @!p0 v4, v2;
	_ =	sdelay $0x3  }
0xc8: {  	s12 =	simm.s32 @!p0 $0xA000  }
0xc9: {  	[tilespmem:s12], [sflag:$0x3] =	stream.indirect_vreg.gather @!p0 [hbm4b:s2+s21], $0x80, v2, vm1, $0xb8;
	[tilespmem:$0x12000] =	vst v63  }
0xca: {  	s12 =	simm.s32 @!p0 $0xA800  }
0xcb: {  	[tilespmem:s12], [sflag:$0x3] =	stream.indirect_vreg.gather @!p0 [hbm4b:s5+s21], $0x80, v2, vm1, $0xb8;
	[tilespmem:$0x12000] =	vst v63  }
0xcc: {  	s12 =	simm.s32 @!p0 $0xB000  }
0xcd: {  	[tilespmem:s12], [sflag:$0x3] =	stream.indirect_vreg.gather @!p0 [hbm4b:s6+s21], $0x80, v2, vm1, $0xb8;
	[tilespmem:$0x12000] =	vst v63  }
0xce: {  	s12 =	simm.s32 @!p0 $0xB800  }
0xcf: {  	[tilespmem:s12], [sflag:$0x3] =	stream.indirect_vreg.gather @!p0 [hbm4b:s7+s21], $0x80, v2, vm1, $0xb8;
	[tilespmem:$0x12000] =	vst v63  }
0xd0: {  	s12 =	simm.s32 @!p0 $0xC000  }
0xd1: {  	[tilespmem:s12], [sflag:$0x3] =	stream.indirect_vreg.gather @!p0 [hbm4b:s8+s21], $0x80, v2, vm1, $0xb8;
	[tilespmem:$0x12000] =	vst v63  }
0xd2: {  	s12 =	simm.s32 @!p0 $0xC800  }
0xd3: {  	[tilespmem:s12], [sflag:$0x3] =	stream.indirect_vreg.gather @!p0 [hbm4b:s9+s21], $0x80, v2, vm1, $0xb8;
	[tilespmem:$0x12000] =	vst v63  }
0xd4: {  	s12 =	simm.s32 @!p0 $0xD000  }
0xd5: {  	[tilespmem:s12], [sflag:$0x3] =	stream.indirect_vreg.gather @!p0 [hbm4b:s10+s21], $0x80, v2, vm1, $0xb8;
	[tilespmem:$0x12000] =	vst v63  }
0xd6: {  	s12 =	simm.s32 @!p0 $0xD800  }
0xd7: {  	[tilespmem:s12], [sflag:$0x3] =	stream.indirect_vreg.gather @!p0 [hbm4b:s11+s21], $0x80, v2, vm1, $0xb8;
	[tilespmem:$0x12000] =	vst v63  }
.Ltmp2:
0xd8: {  	_ = 	snop;
	(pc) =	sbr.rel @p0 .LBB2_4-.Ltmp2, $4  }
0xd9: {  	_ =	swait.ge [sflag:s18], $0x4000  }
0xda: {  	[sflag:s18] =	ssyncset.done $0x0  }
0xdb: {  	s21 =	sadd.s32 $0x1800, s20;
	[sflag:s18] =	ssyncadd.s32 $0xFFFFC000  }
0xdc: {  	[hbm4b:s21+s3] =	stream.linear.scatter [tilespmem:s22], [sflag:$0x8], $0x4000, $0x38;
	[tilespmem:$0x12000] =	vst v63  }
0xdd: {  	_ =	swait.ge [sflag:s4], $0x4000  }
0xde: {  	[sflag:s4] =	ssyncset.done $0x0  }
0xdf: {  	[sflag:s4] =	ssyncadd.s32 $0xFFFFC000  }
0xe0: {  	v2 =	vld.msk [tilespmem:s14+$0x0], $0xff;
	_ =	sdelay $0x4  }
0xe1: {  	v3 =	vshll.u32 v2, $0x4  }
0xe2: {  	v2 =	vand.u32 $0x7, v2;
	v3 =	vand.u32 $0xFFFFFF80, v3  }
0xe3: {  	v2 =	vor.u32 v2, v3  }
0xe4: {  	v2 =	vperm.xlane v2, v0;
	_ =	sdelay $0x1  }
0xe5: {  	v2 =	vadd.s32 v1, v2;
	_ =	sdelay $0x4  }
0xe6: {  	[tilespmem:s22], [sflag:$0x4] =	stream.indirect_vreg.gather [hbm4b:s2+s3], $0x80, v2, vm0, $0xb8;
	[tilespmem:$0x12000] =	vst v63  }
0xe7: {  	_ = 	snop  }
0xe8: {  	[tilespmem:s24], [sflag:$0x4] =	stream.indirect_vreg.gather [hbm4b:s5+s3], $0x80, v2, vm0, $0xb8;
	[tilespmem:$0x12000] =	vst v63  }
0xe9: {  	_ = 	snop  }
0xea: {  	[tilespmem:s25], [sflag:$0x4] =	stream.indirect_vreg.gather [hbm4b:s6+s3], $0x80, v2, vm0, $0xb8;
	[tilespmem:$0x12000] =	vst v63  }
0xeb: {  	_ = 	snop  }
0xec: {  	[tilespmem:s26], [sflag:$0x4] =	stream.indirect_vreg.gather [hbm4b:s7+s3], $0x80, v2, vm0, $0xb8;
	[tilespmem:$0x12000] =	vst v63  }
0xed: {  	_ = 	snop  }
0xee: {  	[tilespmem:s28], [sflag:$0x4] =	stream.indirect_vreg.gather [hbm4b:s8+s3], $0x80, v2, vm0, $0xb8;
	[tilespmem:$0x12000] =	vst v63  }
0xef: {  	_ = 	snop  }
0xf0: {  	[tilespmem:s29], [sflag:$0x4] =	stream.indirect_vreg.gather [hbm4b:s9+s3], $0x80, v2, vm0, $0xb8;
	[tilespmem:$0x12000] =	vst v63  }
.Ltmp3:
0xf1: {  	_ = 	snop;
	(pc) =	sbr.rel .LBB2_2-.Ltmp3, $4  }
0xf2: {  	_ = 	snop  }
0xf3: {  	[tilespmem:s30], [sflag:$0x4] =	stream.indirect_vreg.gather [hbm4b:s10+s3], $0x80, v2, vm0, $0xb8;
	[tilespmem:$0x12000] =	vst v63  }
0xf4: {  	s19 =	sadd.s32 $0x2000, s19;
	s14 =	sadd.s32 $0x200, s14  }
0xf5: {  	[tilespmem:s31], [sflag:$0x4] =	stream.indirect_vreg.gather [hbm4b:s11+s3], $0x80, v2, vm0, $0xb8;
	[tilespmem:$0x12000] =	vst v63  }
.LBB2_5:
0xf6: {  	_ =	sfence.sel $0x180000  }
0xf7: {  	[bflag:$0x0] =	sbarrier.arrive $0xFFFF  }
0xf8: {  	_ =	strace $0x90000047  }
0xf9: {  	s0 =	stileid.u32;
	[bflag:$0x2] =	sbarrier.arrive $0xFFFF  }
0xfa: {  	p0 =	sne.s32 s0, $0x0;
	s0 =	rddreg [dreg:$0x3]  }
0xfb: {  	s0 =	sadd.s32 @!p0 $0x100000, s0  }
0xfc: {  	[sflag:s0] =	ssyncadd.tile.s32 @!p0 $0x1;
	_ =	shalt  }
.Lfunc_end2:
_tile_overlayer_lowered:
.L_overlay_start_2:
0xfd: {  	(tag) =	ssettag $0x2  }
0xfe: {  	s0 =	rddreg [dreg:$0x0];
	s2 =	stileid.u32  }
0xff: {  	s1 =	rddreg [dreg:$0x1];
	p0 =	sne.s32 s2, $0x0  }
0x100: {  	s3 =	rddreg [dreg:$0x2];
	[bflag:$0x3] =	sbarrier.arrive $0xFFFF;
	s2 =	simm.s32 @!p0 $0x1C09  }
0x101: {  	[timem:s3], [sflag:s2] =	dma.local @!p0 [hbm:s0], s1  }
0x102: {  	s0 =	simm.s32 @!p0 $0x9  }
0x103: {  	_ =	swait.ge @!p0 [sflag:s0], s1  }
0x104: {  	s1 =	ssub.s32 @!p0 $0x0, s1;
	[sflag:s0] =	ssyncset.done @!p0 $0x0  }
0x105: {  	[sflag:s0] =	ssyncadd.s32 @!p0 s1  }
0x106: {  	[bflag:$0x3] =	sbarrier.arrive $0xFFFF  }
0x107: {  	_ =	shalt  }

</sc_bundles>
